<compile_context>
chip_gen: v7x
topology: tpu7x:2x2x1
jax: 0.10.2.dev20260603
libtpu: 0.0.44.dev20260713+nightly
codegen_flags: <defaults>
</compile_context>

<pallas_src>
import functools

import jax
import jax.numpy as jnp
from jax import lax
from jax.experimental import pallas as pl
from jax.experimental.pallas import tpu as pltpu
from jax.experimental.pallas import tpu_sc as plsc

NUM_SEG = 1024
BLOCK_R = 16000
CHUNK = 80

_info = plsc.get_sparse_core_info()
NC, NS = _info.num_cores, _info.num_subcores
NW = NC * NS


def _emb_body(x_ref, ew_ref, eb_ref, y_ref):
    x = x_ref[...].astype(jnp.bfloat16)
    t = jnp.dot(x, ew_ref[...].astype(jnp.bfloat16),
                preferred_element_type=jnp.float32)
    y_ref[...] = jnp.maximum(t + eb_ref[...], 0.0)


def _emb(x, ew, eb2):
    n, d = x.shape
    nb = n // BLOCK_R
    return pl.pallas_call(
        _emb_body,
        grid=(nb,),
        in_specs=[
            pl.BlockSpec((BLOCK_R, d), lambda i: (i, 0)),
            pl.BlockSpec((d, d), lambda i: (0, 0)),
            pl.BlockSpec((1, d), lambda i: (0, 0)),
        ],
        out_specs=pl.BlockSpec((BLOCK_R, d), lambda i: (i, 0)),
        out_shape=jax.ShapeDtypeStruct((n, d), jnp.float32),
    )(x, ew, eb2)


def _segsum_sc(y, ids, zacc, zcnt, onesrc):
    n, d = y.shape
    rows_per_w = n // NW
    nchunk = rows_per_w // CHUNK

    @functools.partial(
        pl.kernel,
        out_type=[
            jax.ShapeDtypeStruct((NC, NUM_SEG, d), jnp.float32),
            jax.ShapeDtypeStruct((NC, NUM_SEG, d), jnp.float32),
        ],
        mesh=plsc.VectorSubcoreMesh(core_axis_name="c", subcore_axis_name="s"),
        scratch_types=[
            pltpu.VMEM_SHARED((NUM_SEG, d), jnp.float32),
            pltpu.VMEM_SHARED((NUM_SEG, d), jnp.float32),
            pltpu.VMEM((CHUNK, d), jnp.float32),
            pltpu.VMEM((CHUNK,), jnp.int32),
            pltpu.VMEM((CHUNK, d), jnp.float32),
        ],
    )
    def k(y_hbm, ids_hbm, zacc_hbm, zcnt_hbm, ones_hbm, out_acc, out_cnt,
          acc_sh, cnt_sh, ybuf, idxbuf, onesbuf):
        c = lax.axis_index("c")
        s = lax.axis_index("s")
        wid = s * NC + c

        @pl.when(s == 0)
        def _zero():
            pltpu.sync_copy(zacc_hbm, acc_sh)
            pltpu.sync_copy(zcnt_hbm, cnt_sh)

        pltpu.sync_copy(ones_hbm, onesbuf)
        plsc.subcore_barrier()

        base = wid * rows_per_w

        def body(kk, carry):
            start = base + kk * CHUNK
            pltpu.sync_copy(ids_hbm.at[pl.ds(start, CHUNK)], idxbuf)
            pltpu.sync_copy(y_hbm.at[pl.ds(start, CHUNK)], ybuf)
            pltpu.sync_copy(ybuf, acc_sh.at[idxbuf], add=True)
            pltpu.sync_copy(onesbuf, cnt_sh.at[idxbuf], add=True)
            return carry

        lax.fori_loop(0, nchunk, body, 0)
        plsc.subcore_barrier()

        @pl.when(s == 0)
        def _flush():
            pltpu.sync_copy(acc_sh, out_acc.at[c])
            pltpu.sync_copy(cnt_sh, out_cnt.at[c])

    return k(y, ids, zacc, zcnt, onesrc)


def _fin_body(acc_ref, cnt_ref, mw_ref, mb_ref, out_ref):
    acc = acc_ref[0] + acc_ref[1]
    cnt = cnt_ref[0][:, 0:1] + cnt_ref[1][:, 0:1]
    mean = acc / jnp.maximum(cnt, 1.0)
    out_ref[...] = (jnp.dot(mean, mw_ref[...],
                            preferred_element_type=jnp.float32)
                    + mb_ref[...])


def _fin(acc, cnt, mw, mb2):
    d = mw.shape[0]
    return pl.pallas_call(
        _fin_body,
        in_specs=[
            pl.BlockSpec((NC, NUM_SEG, d), lambda: (0, 0, 0)),
            pl.BlockSpec((NC, NUM_SEG, d), lambda: (0, 0, 0)),
            pl.BlockSpec((d, d), lambda: (0, 0)),
            pl.BlockSpec((1, d), lambda: (0, 0)),
        ],
        out_specs=pl.BlockSpec((NUM_SEG, d), lambda: (0, 0)),
        out_shape=jax.ShapeDtypeStruct((NUM_SEG, d), jnp.float32),
    )(acc, cnt, mw, mb2)


@jax.jit
def _run(x, batch, ew, eb, mw, mb):
    n, d = x.shape
    eb2 = eb.reshape(1, d)
    mb2 = mb.reshape(1, d)
    y = _emb(x, ew, eb2)
    zacc = jnp.zeros((NUM_SEG, d), jnp.float32)
    zcnt = jnp.zeros((NUM_SEG, d), jnp.float32)
    onesrc = jnp.ones((CHUNK, d), jnp.float32)
    acc, cnt = _segsum_sc(y, batch, zacc, zcnt, onesrc)
    return _fin(acc, cnt, mw, mb2)


def kernel(input, batch, emb_weight, emb_bias, mlp_weight, mlp_bias):
    return _run(input, batch, emb_weight, emb_bias, mlp_weight, mlp_bias)

# --- scband reference (transcript-rebuilt; emitter-appended) ---
"""Pipeline reference for scband-readoutlayer-84885733638733 (READ-ONLY COPY).

The authoritative reference and input builder live on the scoring server;
editing this copy changes nothing except your own understanding.
"""

import jax, jax.numpy as jnp
import numpy as np

N = 320000
D = 128
NUM_SEG = 1024


def _glorot(key, shape):
    s = jnp.sqrt(6.0 / (shape[0] + shape[1]))
    return jax.random.uniform(key, shape, jnp.float32, -s, s)


def setup_inputs(seed: int = 0):
    key = jax.random.key(seed)
    k1, k2, k3, k4 = jax.random.split(key, 4)
    x = jax.random.normal(k1, (N, D), jnp.float32)
    batch = jnp.sort(jax.random.randint(k2, (N,), 0, NUM_SEG, jnp.int32))
    emb_weight = _glorot(k3, (D, D))
    emb_bias = jnp.zeros((D,), jnp.float32)
    mlp_weight = _glorot(k4, (D, D))
    mlp_bias = jnp.zeros((D,), jnp.float32)
    return {"input": x, "batch": batch, "emb_weight": emb_weight, "emb_bias": emb_bias, "mlp_weight": mlp_weight, "mlp_bias": mlp_bias}


def reference(input, batch, emb_weight, emb_bias, mlp_weight, mlp_bias):
    # x_emb = act(x @ emb_weight + emb_bias)
    x_emb = jax.nn.relu(jnp.matmul(input, emb_weight) + emb_bias)
    # global_mean_pool over segment ids (batch)
    sums = jax.ops.segment_sum(x_emb, batch, num_segments=NUM_SEG)
    counts = jax.ops.segment_sum(jnp.ones((input.shape[0],), jnp.float32), batch, num_segments=NUM_SEG)
    mean = sums / jnp.maximum(counts, 1.0)[:, None]
    # dropout with p=0 in eval mode is identity
    out = jnp.matmul(mean, mlp_weight) + mlp_bias
    return out

if __name__ == "__main__":
    import jax
    _d = setup_inputs()
    print(jax.jit(kernel)(*tuple(_d.values())))

</pallas_src>

<mosaic_0001>
#map = affine_map<(d0, d1) -> (0, 0)>
#map1 = affine_map<(d0, d1) -> (0)>
#map2 = affine_map<(d0, d1) -> (0, 0, 0)>
module attributes {stable_mosaic.version = 14 : i64} {
  func.func @k(%arg0: i32, %arg1: i32, %arg2: memref<320000x128xf32, #tpu.memory_space<hbm>>, %arg3: memref<320000xi32, #tpu.memory_space<hbm>>, %arg4: memref<1024x128xf32, #tpu.memory_space<hbm>>, %arg5: memref<1024x128xf32, #tpu.memory_space<hbm>>, %arg6: memref<80x128xf32, #tpu.memory_space<hbm>>, %arg7: memref<2x1024x128xf32, #tpu.memory_space<hbm>>, %arg8: memref<2x1024x128xf32, #tpu.memory_space<hbm>>, %arg9: memref<1024x128xf32, #tpu.memory_space<vmem_shared>>, %arg10: memref<1024x128xf32, #tpu.memory_space<vmem_shared>>, %arg11: memref<80x128xf32, #tpu.memory_space<vmem>>, %arg12: memref<80xi32, #tpu.memory_space<vmem>>, %arg13: memref<80x128xf32, #tpu.memory_space<vmem>>) attributes {dimension_semantics = [#tpu.dimension_semantics<core_parallel>, #tpu.dimension_semantics<subcore_parallel>], iteration_bounds = array<i64: 2, 16>, scalar_prefetch = 0 : i64, scratch_operands = 5 : i64, tpu.core_type = #tpu.core_type<sc_vector_subcore>, window_params = [{transform_indices = #map}, {transform_indices = #map1}, {transform_indices = #map}, {transform_indices = #map}, {transform_indices = #map}, {transform_indices = #map2}, {transform_indices = #map2}]} {
    %mul3A = arith.constant 2 : i32
    %mul3A_0 = arith.muli %arg1, %mul3A : i32
    %add3A = arith.addi %mul3A_0, %arg0 : i32
    %eq3A = arith.constant 0 : i32
    %eq3A_1 = arith.cmpi eq, %arg1, %eq3A : i32
    %convert_element_type3A = arith.extui %eq3A_1 : i1 to i32
    %cond3A = arith.constant 0 : i32
    %cond3A_2 = arith.cmpi ne, %convert_element_type3A, %cond3A : i32
    scf.if %cond3A_2 {
      "tpu.region"() ({
        %run_scoped3A = tpu.sem_alloc : memref<!tpu.dma_semaphore, #tpu.memory_space<semaphore_mem>>
        tpu.enqueue_dma source(%arg4 : memref<1024x128xf32, #tpu.memory_space<hbm>>) target(%arg9 : memref<1024x128xf32, #tpu.memory_space<vmem_shared>>) target_semaphore(%run_scoped3A : memref<!tpu.dma_semaphore, #tpu.memory_space<semaphore_mem>>)
        tpu.wait_dma2 semaphore(%run_scoped3A : memref<!tpu.dma_semaphore, #tpu.memory_space<semaphore_mem>>) src(%arg4 : memref<1024x128xf32, #tpu.memory_space<hbm>>) dst(%arg9 : memref<1024x128xf32, #tpu.memory_space<vmem_shared>>)
        tpu.yield
      }) : () -> ()
      "tpu.region"() ({
        %run_scoped3A = tpu.sem_alloc : memref<!tpu.dma_semaphore, #tpu.memory_space<semaphore_mem>>
        tpu.enqueue_dma source(%arg5 : memref<1024x128xf32, #tpu.memory_space<hbm>>) target(%arg10 : memref<1024x128xf32, #tpu.memory_space<vmem_shared>>) target_semaphore(%run_scoped3A : memref<!tpu.dma_semaphore, #tpu.memory_space<semaphore_mem>>)
        tpu.wait_dma2 semaphore(%run_scoped3A : memref<!tpu.dma_semaphore, #tpu.memory_space<semaphore_mem>>) src(%arg5 : memref<1024x128xf32, #tpu.memory_space<hbm>>) dst(%arg10 : memref<1024x128xf32, #tpu.memory_space<vmem_shared>>)
        tpu.yield
      }) : () -> ()
    } else {
    }
    "tpu.region"() ({
      %run_scoped3A = tpu.sem_alloc : memref<!tpu.dma_semaphore, #tpu.memory_space<semaphore_mem>>
      tpu.enqueue_dma source(%arg6 : memref<80x128xf32, #tpu.memory_space<hbm>>) target(%arg13 : memref<80x128xf32, #tpu.memory_space<vmem>>) target_semaphore(%run_scoped3A : memref<!tpu.dma_semaphore, #tpu.memory_space<semaphore_mem>>)
      tpu.wait_dma2 semaphore(%run_scoped3A : memref<!tpu.dma_semaphore, #tpu.memory_space<semaphore_mem>>) src(%arg6 : memref<80x128xf32, #tpu.memory_space<hbm>>) dst(%arg13 : memref<80x128xf32, #tpu.memory_space<vmem>>)
      tpu.yield
    }) : () -> ()
    %barrier3A = arith.constant 0 : index
    tpu.barrier barrier_id(%barrier3A)
    %mul3A_3 = arith.constant 10000 : i32
    %mul3A_4 = arith.muli %add3A, %mul3A_3 : i32
    %scan3A = arith.constant 0 : i32
    %scan3A_5 = arith.constant 0 : i32
    %scan3A_6 = arith.constant 125 : i32
    %scan3A_7 = arith.addi %scan3A_5, %scan3A_6 : i32
    %scan3A_8 = arith.constant 1 : i32
    scf.for %scan3A_16 = %scan3A_5 to %scan3A_7 step %scan3A_8  : i32 {
      %mul3A_17 = arith.constant 80 : i32
      %mul3A_18 = arith.muli %scan3A_16, %mul3A_17 : i32
      %add3A_19 = arith.addi %mul3A_4, %mul3A_18 : i32
      "tpu.region"() ({
        %run_scoped3A = tpu.sem_alloc : memref<!tpu.dma_semaphore, #tpu.memory_space<semaphore_mem>>
        %dma_start3A = tpu.memref_slice %arg3[%add3A_19] : memref<320000xi32, #tpu.memory_space<hbm>> -> memref<80xi32, #tpu.memory_space<hbm>>
        %dma_start3A_20 = tpu.memref_slice %arg3[%add3A_19] : memref<320000xi32, #tpu.memory_space<hbm>> -> memref<80xi32, #tpu.memory_space<hbm>>
        tpu.enqueue_dma source(%dma_start3A_20 : memref<80xi32, #tpu.memory_space<hbm>>) target(%arg12 : memref<80xi32, #tpu.memory_space<vmem>>) target_semaphore(%run_scoped3A : memref<!tpu.dma_semaphore, #tpu.memory_space<semaphore_mem>>)
        %dma_wait3A = tpu.memref_slice %arg3[%add3A_19] : memref<320000xi32, #tpu.memory_space<hbm>> -> memref<80xi32, #tpu.memory_space<hbm>>
        %dma_wait3A_21 = tpu.memref_slice %arg3[%add3A_19] : memref<320000xi32, #tpu.memory_space<hbm>> -> memref<80xi32, #tpu.memory_space<hbm>>
        tpu.wait_dma2 semaphore(%run_scoped3A : memref<!tpu.dma_semaphore, #tpu.memory_space<semaphore_mem>>) src(%dma_wait3A_21 : memref<80xi32, #tpu.memory_space<hbm>>) dst(%arg12 : memref<80xi32, #tpu.memory_space<vmem>>)
        tpu.yield
      }) : () -> ()
      "tpu.region"() ({
        %run_scoped3A = tpu.sem_alloc : memref<!tpu.dma_semaphore, #tpu.memory_space<semaphore_mem>>
        %dma_start3A = arith.constant 0 : i32
        %dma_start3A_20 = tpu.memref_slice %arg2[%add3A_19, %dma_start3A] : memref<320000x128xf32, #tpu.memory_space<hbm>> -> memref<80x128xf32, #tpu.memory_space<hbm>>
        %dma_start3A_21 = arith.constant 0 : i32
        %dma_start3A_22 = tpu.memref_slice %arg2[%add3A_19, %dma_start3A_21] : memref<320000x128xf32, #tpu.memory_space<hbm>> -> memref<80x128xf32, #tpu.memory_space<hbm>>
        tpu.enqueue_dma source(%dma_start3A_22 : memref<80x128xf32, #tpu.memory_space<hbm>>) target(%arg11 : memref<80x128xf32, #tpu.memory_space<vmem>>) target_semaphore(%run_scoped3A : memref<!tpu.dma_semaphore, #tpu.memory_space<semaphore_mem>>)
        %dma_wait3A = arith.constant 0 : i32
        %dma_wait3A_23 = tpu.memref_slice %arg2[%add3A_19, %dma_wait3A] : memref<320000x128xf32, #tpu.memory_space<hbm>> -> memref<80x128xf32, #tpu.memory_space<hbm>>
        %dma_wait3A_24 = arith.constant 0 : i32
        %dma_wait3A_25 = tpu.memref_slice %arg2[%add3A_19, %dma_wait3A_24] : memref<320000x128xf32, #tpu.memory_space<hbm>> -> memref<80x128xf32, #tpu.memory_space<hbm>>
        tpu.wait_dma2 semaphore(%run_scoped3A : memref<!tpu.dma_semaphore, #tpu.memory_space<semaphore_mem>>) src(%dma_wait3A_25 : memref<80x128xf32, #tpu.memory_space<hbm>>) dst(%arg11 : memref<80x128xf32, #tpu.memory_space<vmem>>)
        tpu.yield
      }) : () -> ()
      "tpu.region"() ({
        %run_scoped3A = tpu.sem_alloc : memref<!tpu.dma_semaphore, #tpu.memory_space<semaphore_mem>>
        %dma_start3A = arith.constant 0 : i32
        %dma_start3A_20 = arith.constant 0 : i32
        %dma_start3A_21 = tpu.memref_slice %arg9[%dma_start3A, %dma_start3A_20] : memref<1024x128xf32, #tpu.memory_space<vmem_shared>> -> memref<1024x128xf32, #tpu.memory_space<vmem_shared>>
        tpu.enqueue_indirect_dma source(%arg11 : memref<80x128xf32, #tpu.memory_space<vmem>>) target(%dma_start3A_21 : memref<1024x128xf32, #tpu.memory_space<vmem_shared>>) offsets(%arg12 : memref<80xi32, #tpu.memory_space<vmem>>) semaphore(%run_scoped3A : memref<!tpu.dma_semaphore, #tpu.memory_space<semaphore_mem>>) {add = true}
        %dma_wait3A = arith.constant 0 : i32
        %dma_wait3A_22 = arith.constant 0 : i32
        %dma_wait3A_23 = tpu.memref_slice %arg9[%dma_wait3A, %dma_wait3A_22] : memref<1024x128xf32, #tpu.memory_space<vmem_shared>> -> memref<1024x128xf32, #tpu.memory_space<vmem_shared>>
        tpu.wait_indirect_dma semaphore(%run_scoped3A : memref<!tpu.dma_semaphore, #tpu.memory_space<semaphore_mem>>) src(%arg11 : memref<80x128xf32, #tpu.memory_space<vmem>>) dst(%dma_wait3A_23 : memref<1024x128xf32, #tpu.memory_space<vmem_shared>>)
        tpu.yield
      }) : () -> ()
      "tpu.region"() ({
        %run_scoped3A = tpu.sem_alloc : memref<!tpu.dma_semaphore, #tpu.memory_space<semaphore_mem>>
        %dma_start3A = arith.constant 0 : i32
        %dma_start3A_20 = arith.constant 0 : i32
        %dma_start3A_21 = tpu.memref_slice %arg10[%dma_start3A, %dma_start3A_20] : memref<1024x128xf32, #tpu.memory_space<vmem_shared>> -> memref<1024x128xf32, #tpu.memory_space<vmem_shared>>
        tpu.enqueue_indirect_dma source(%arg13 : memref<80x128xf32, #tpu.memory_space<vmem>>) target(%dma_start3A_21 : memref<1024x128xf32, #tpu.memory_space<vmem_shared>>) offsets(%arg12 : memref<80xi32, #tpu.memory_space<vmem>>) semaphore(%run_scoped3A : memref<!tpu.dma_semaphore, #tpu.memory_space<semaphore_mem>>) {add = true}
        %dma_wait3A = arith.constant 0 : i32
        %dma_wait3A_22 = arith.constant 0 : i32
        %dma_wait3A_23 = tpu.memref_slice %arg10[%dma_wait3A, %dma_wait3A_22] : memref<1024x128xf32, #tpu.memory_space<vmem_shared>> -> memref<1024x128xf32, #tpu.memory_space<vmem_shared>>
        tpu.wait_indirect_dma semaphore(%run_scoped3A : memref<!tpu.dma_semaphore, #tpu.memory_space<semaphore_mem>>) src(%arg13 : memref<80x128xf32, #tpu.memory_space<vmem>>) dst(%dma_wait3A_23 : memref<1024x128xf32, #tpu.memory_space<vmem_shared>>)
        tpu.yield
      }) : () -> ()
    }
    %scan3A_9 = arith.constant 125 : i32
    %barrier3A_10 = arith.constant 0 : index
    tpu.barrier barrier_id(%barrier3A_10)
    %eq3A_11 = arith.constant 0 : i32
    %eq3A_12 = arith.cmpi eq, %arg1, %eq3A_11 : i32
    %convert_element_type3A_13 = arith.extui %eq3A_12 : i1 to i32
    %cond3A_14 = arith.constant 0 : i32
    %cond3A_15 = arith.cmpi ne, %convert_element_type3A_13, %cond3A_14 : i32
    scf.if %cond3A_15 {
      "tpu.region"() ({
        %run_scoped3A = tpu.sem_alloc : memref<!tpu.dma_semaphore, #tpu.memory_space<semaphore_mem>>
        %dma_start3A = arith.constant 0 : i32
        %dma_start3A_16 = arith.constant 0 : i32
        %dma_start3A_17 = tpu.memref_slice %arg7[%arg0, %dma_start3A, %dma_start3A_16] : memref<2x1024x128xf32, #tpu.memory_space<hbm>> -> memref<1x1024x128xf32, #tpu.memory_space<hbm>>
        %dma_start3A_18 = tpu.memref_squeeze %dma_start3A_17 : memref<1x1024x128xf32, #tpu.memory_space<hbm>> -> memref<1024x128xf32, #tpu.memory_space<hbm>>
        tpu.enqueue_dma source(%arg9 : memref<1024x128xf32, #tpu.memory_space<vmem_shared>>) target(%dma_start3A_18 : memref<1024x128xf32, #tpu.memory_space<hbm>>) target_semaphore(%run_scoped3A : memref<!tpu.dma_semaphore, #tpu.memory_space<semaphore_mem>>)
        %dma_wait3A = arith.constant 0 : i32
        %dma_wait3A_19 = arith.constant 0 : i32
        %dma_wait3A_20 = tpu.memref_slice %arg7[%arg0, %dma_wait3A, %dma_wait3A_19] : memref<2x1024x128xf32, #tpu.memory_space<hbm>> -> memref<1x1024x128xf32, #tpu.memory_space<hbm>>
        %dma_wait3A_21 = tpu.memref_squeeze %dma_wait3A_20 : memref<1x1024x128xf32, #tpu.memory_space<hbm>> -> memref<1024x128xf32, #tpu.memory_space<hbm>>
        tpu.wait_dma2 semaphore(%run_scoped3A : memref<!tpu.dma_semaphore, #tpu.memory_space<semaphore_mem>>) src(%arg9 : memref<1024x128xf32, #tpu.memory_space<vmem_shared>>) dst(%dma_wait3A_21 : memref<1024x128xf32, #tpu.memory_space<hbm>>)
        tpu.yield
      }) : () -> ()
      "tpu.region"() ({
        %run_scoped3A = tpu.sem_alloc : memref<!tpu.dma_semaphore, #tpu.memory_space<semaphore_mem>>
        %dma_start3A = arith.constant 0 : i32
        %dma_start3A_16 = arith.constant 0 : i32
        %dma_start3A_17 = tpu.memref_slice %arg8[%arg0, %dma_start3A, %dma_start3A_16] : memref<2x1024x128xf32, #tpu.memory_space<hbm>> -> memref<1x1024x128xf32, #tpu.memory_space<hbm>>
        %dma_start3A_18 = tpu.memref_squeeze %dma_start3A_17 : memref<1x1024x128xf32, #tpu.memory_space<hbm>> -> memref<1024x128xf32, #tpu.memory_space<hbm>>
        tpu.enqueue_dma source(%arg10 : memref<1024x128xf32, #tpu.memory_space<vmem_shared>>) target(%dma_start3A_18 : memref<1024x128xf32, #tpu.memory_space<hbm>>) target_semaphore(%run_scoped3A : memref<!tpu.dma_semaphore, #tpu.memory_space<semaphore_mem>>)
        %dma_wait3A = arith.constant 0 : i32
        %dma_wait3A_19 = arith.constant 0 : i32
        %dma_wait3A_20 = tpu.memref_slice %arg8[%arg0, %dma_wait3A, %dma_wait3A_19] : memref<2x1024x128xf32, #tpu.memory_space<hbm>> -> memref<1x1024x128xf32, #tpu.memory_space<hbm>>
        %dma_wait3A_21 = tpu.memref_squeeze %dma_wait3A_20 : memref<1x1024x128xf32, #tpu.memory_space<hbm>> -> memref<1024x128xf32, #tpu.memory_space<hbm>>
        tpu.wait_dma2 semaphore(%run_scoped3A : memref<!tpu.dma_semaphore, #tpu.memory_space<semaphore_mem>>) src(%arg10 : memref<1024x128xf32, #tpu.memory_space<vmem_shared>>) dst(%dma_wait3A_21 : memref<1024x128xf32, #tpu.memory_space<hbm>>)
        tpu.yield
      }) : () -> ()
    } else {
    }
    return
  }
}

module attributes {stable_mosaic.version = 14 : i64} {
  func.func @_fin_body(%arg0: memref<2x1024x128xf32, #tpu.memory_space<vmem>>, %arg1: memref<2x1024x128xf32, #tpu.memory_space<vmem>>, %arg2: memref<128x128xf32, #tpu.memory_space<vmem>>, %arg3: memref<1x128xf32, #tpu.memory_space<vmem>>, %arg4: memref<1024x128xf32, #tpu.memory_space<vmem>>) attributes {dimension_semantics = [], scalar_prefetch = 0 : i64, scratch_operands = 0 : i64, tpu.core_type = #tpu.core_type<tc>} {
    %get3A = arith.constant 0 : index
    %get3A_0 = arith.constant 0 : index
    %get3A_1 = arith.constant 0 : index
    %get3A_2 = vector.load %arg0[%get3A, %get3A_0, %get3A_1] : memref<2x1024x128xf32, #tpu.memory_space<vmem>>, vector<1x1024x128xf32>
    %get3A_3 = vector.shape_cast %get3A_2 : vector<1x1024x128xf32> to vector<1024x128xf32>
    %get3A_4 = arith.constant 1 : index
    %get3A_5 = arith.constant 0 : index
    %get3A_6 = arith.constant 0 : index
    %get3A_7 = vector.load %arg0[%get3A_4, %get3A_5, %get3A_6] : memref<2x1024x128xf32, #tpu.memory_space<vmem>>, vector<1x1024x128xf32>
    %get3A_8 = vector.shape_cast %get3A_7 : vector<1x1024x128xf32> to vector<1024x128xf32>
    %add3A = arith.addf %get3A_3, %get3A_8 : vector<1024x128xf32>
    %get3A_9 = arith.constant 0 : index
    %get3A_10 = arith.constant 0 : index
    %get3A_11 = arith.constant 0 : index
    %get3A_12 = vector.load %arg1[%get3A_9, %get3A_10, %get3A_11] : memref<2x1024x128xf32, #tpu.memory_space<vmem>>, vector<1x1024x128xf32>
    %get3A_13 = vector.shape_cast %get3A_12 : vector<1x1024x128xf32> to vector<1024x128xf32>
    %slice3A = vector.extract_strided_slice %get3A_13 {offsets = [0, 0], sizes = [1024, 1], strides = [1, 1]} : vector<1024x128xf32> to vector<1024x1xf32>
    %get3A_14 = arith.constant 1 : index
    %get3A_15 = arith.constant 0 : index
    %get3A_16 = arith.constant 0 : index
    %get3A_17 = vector.load %arg1[%get3A_14, %get3A_15, %get3A_16] : memref<2x1024x128xf32, #tpu.memory_space<vmem>>, vector<1x1024x128xf32>
    %get3A_18 = vector.shape_cast %get3A_17 : vector<1x1024x128xf32> to vector<1024x128xf32>
    %slice3A_19 = vector.extract_strided_slice %get3A_18 {offsets = [0, 0], sizes = [1024, 1], strides = [1, 1]} : vector<1024x128xf32> to vector<1024x1xf32>
    %add3A_20 = arith.addf %slice3A, %slice3A_19 : vector<1024x1xf32>
    %max3A = arith.constant 1.000000e+00 : f32
    %max3A_21 = vector.broadcast %max3A : f32 to vector<1024x1xf32>
    %max3A_22 = arith.maximumf %add3A_20, %max3A_21 : vector<1024x1xf32>
    %div3A = vector.broadcast %max3A_22 : vector<1024x1xf32> to vector<1024x128xf32>
    %div3A_23 = arith.divf %add3A, %div3A : vector<1024x128xf32>
    %get3A_24 = arith.constant 0 : index
    %get3A_25 = arith.constant 0 : index
    %get3A_26 = vector.load %arg2[%get3A_24, %get3A_25] : memref<128x128xf32, #tpu.memory_space<vmem>>, vector<128x128xf32>
    %dot_general3A = arith.constant dense<0.000000e+00> : vector<1024x128xf32>
    %dot_general3A_27 = tpu.matmul %div3A_23, %get3A_26, %dot_general3A {dimension_numbers = #tpu.dot_dimension_numbers<[1], [0], [0], [1], [0, 0, 1, 1], [], []>, transpose_lhs_hint = false} : vector<1024x128xf32>, vector<128x128xf32>, vector<1024x128xf32> -> vector<1024x128xf32>
    %get3A_28 = arith.constant 0 : index
    %get3A_29 = arith.constant 0 : index
    %get3A_30 = vector.load %arg3[%get3A_28, %get3A_29] : memref<1x128xf32, #tpu.memory_space<vmem>>, vector<1x128xf32>
    %add3A_31 = vector.broadcast %get3A_30 : vector<1x128xf32> to vector<1024x128xf32>
    %add3A_32 = arith.addf %dot_general3A_27, %add3A_31 : vector<1024x128xf32>
    %swap3A = arith.constant 0 : index
    %swap3A_33 = arith.constant 0 : index
    %swap3A_34 = vector.load %arg4[%swap3A, %swap3A_33] : memref<1024x128xf32, #tpu.memory_space<vmem>>, vector<1024x128xf32>
    tpu.vector_store %arg4[%swap3A, %swap3A_33], %add3A_32 {strides = array<i32>} : memref<1024x128xf32, #tpu.memory_space<vmem>>, vector<1024x128xf32>,
    return
  }
}

module attributes {stable_mosaic.version = 14 : i64} {
  func.func @_emb_body(%arg0: i32, %arg1: memref<16000x128xf32, #tpu.memory_space<vmem>>, %arg2: memref<128x128xf32, #tpu.memory_space<vmem>>, %arg3: memref<1x128xf32, #tpu.memory_space<vmem>>, %arg4: memref<16000x128xf32, #tpu.memory_space<vmem>>) attributes {dimension_semantics = [#tpu.dimension_semantics<arbitrary>], iteration_bounds = array<i64: 20>, scalar_prefetch = 0 : i64, scratch_operands = 0 : i64, tpu.core_type = #tpu.core_type<tc>, window_params = [{transform_indices = @transform_0, window_bounds = array<i64: 16000, 128>}, {pipeline_mode = #tpu.pipeline_mode<synchronous>, transform_indices = @transform_1, window_bounds = array<i64: 128, 128>}, {pipeline_mode = #tpu.pipeline_mode<synchronous>, transform_indices = @transform_2, window_bounds = array<i64: 1, 128>}, {transform_indices = @transform_3, window_bounds = array<i64: 16000, 128>}]} {
    %get3A = arith.constant 0 : index
    %get3A_0 = arith.constant 0 : index
    %get3A_1 = vector.load %arg1[%get3A, %get3A_0] : memref<16000x128xf32, #tpu.memory_space<vmem>>, vector<16000x128xf32>
    %convert_element_type3A = arith.truncf %get3A_1 : vector<16000x128xf32> to vector<16000x128xbf16>
    %get3A_2 = arith.constant 0 : index
    %get3A_3 = arith.constant 0 : index
    %get3A_4 = vector.load %arg2[%get3A_2, %get3A_3] : memref<128x128xf32, #tpu.memory_space<vmem>>, vector<128x128xf32>
    %convert_element_type3A_5 = arith.truncf %get3A_4 : vector<128x128xf32> to vector<128x128xbf16>
    %dot_general3A = arith.constant dense<0.000000e+00> : vector<16000x128xf32>
    %dot_general3A_6 = tpu.matmul %convert_element_type3A, %convert_element_type3A_5, %dot_general3A {dimension_numbers = #tpu.dot_dimension_numbers<[1], [0], [0], [1], [0, 0, 1, 1], [], []>, transpose_lhs_hint = false} : vector<16000x128xbf16>, vector<128x128xbf16>, vector<16000x128xf32> -> vector<16000x128xf32>
    %get3A_7 = arith.constant 0 : index
    %get3A_8 = arith.constant 0 : index
    %get3A_9 = vector.load %arg3[%get3A_7, %get3A_8] : memref<1x128xf32, #tpu.memory_space<vmem>>, vector<1x128xf32>
    %add3A = vector.broadcast %get3A_9 : vector<1x128xf32> to vector<16000x128xf32>
    %add3A_10 = arith.addf %dot_general3A_6, %add3A : vector<16000x128xf32>
    %max3A = arith.constant 0.000000e+00 : f32
    %max3A_11 = vector.broadcast %max3A : f32 to vector<16000x128xf32>
    %max3A_12 = arith.maximumf %add3A_10, %max3A_11 : vector<16000x128xf32>
    %swap3A = arith.constant 0 : index
    %swap3A_13 = arith.constant 0 : index
    %swap3A_14 = vector.load %arg4[%swap3A, %swap3A_13] : memref<16000x128xf32, #tpu.memory_space<vmem>>, vector<16000x128xf32>
    tpu.vector_store %arg4[%swap3A, %swap3A_13], %max3A_12 {strides = array<i32>} : memref<16000x128xf32, #tpu.memory_space<vmem>>, vector<16000x128xf32>,
    return
  }
  func.func @transform_0(%arg0: i32) -> (i32, i32) {
    %c0_i32 = arith.constant 0 : i32
    %c0_i32_0 = arith.constant 0 : i32
    return %arg0, %c0_i32 : i32, i32
  }
  func.func @transform_1(%arg0: i32) -> (i32, i32) {
    %c0_i32 = arith.constant 0 : i32
    %c0_i32_0 = arith.constant 0 : i32
    %c0_i32_1 = arith.constant 0 : i32
    return %c0_i32, %c0_i32_0 : i32, i32
  }
  func.func @transform_2(%arg0: i32) -> (i32, i32) {
    %c0_i32 = arith.constant 0 : i32
    %c0_i32_0 = arith.constant 0 : i32
    %c0_i32_1 = arith.constant 0 : i32
    return %c0_i32, %c0_i32_0 : i32, i32
  }
  func.func @transform_3(%arg0: i32) -> (i32, i32) {
    %c0_i32 = arith.constant 0 : i32
    %c0_i32_0 = arith.constant 0 : i32
    return %arg0, %c0_i32 : i32, i32
  }
}

</mosaic_0001>

<sc_bundles>
// kernel: _run.5.cloned.1.call-start
scs
__scs_entry_jumppad:
0x0: {  	(pc) =	sbr.rel $0x88, $3  }
0x1: {  	(tag) =	ssettag $0x0;
	lr =	simm.s32 $0x1  }
0x2: {  	[smem:$0x3F9B] =	sst lr;
	_ =	strace $0xD0000000  }
0x3: {  	_ = 	snop  }
0x4: {  	_ = 	snop  }
0x5: {  	_ = 	snop  }
0x6: {  	_ = 	snop  }
0x7: {  	_ = 	snop  }
__scs_overlays_trampoline_lowered:
0x8: {  	[smem:$0x3FAA] =	sst s0  }
0x9: {  	[smem:$0x3FAB] =	sst s1  }
0xa: {  	[smem:$0x3FAC] =	sst s2  }
0xb: {  	[smem:$0x3FAD] =	sst s3  }
0xc: {  	[smem:$0x3FAE] =	sst s4  }
0xd: {  	[smem:$0x3FAF] =	sst s5  }
0xe: {  	[smem:$0x3FB0] =	sst s6  }
0xf: {  	[smem:$0x3FB1] =	sst s7  }
0x10: {  	[smem:$0x3FB2] =	sst s8  }
0x11: {  	[smem:$0x3FB3] =	sst s9;
	s0 =	simm.s32 @!p0 $0x0  }
0x12: {  	s1 =	sld [smem:$0x3F99];
	s0 =	simm.s32 @p0 $0x1  }
0x13: {  	[smem:$0x3FB4] =	sst s0;
	s0 =	simm.s32 @!p1 $0x0  }
0x14: {  	s2 =	sld [smem:$0x3F98];
	s0 =	simm.s32 @p1 $0x1  }
0x15: {  	[smem:$0x3FB5] =	sst s0;
	s0 =	simm.s32 @!p2 $0x0  }
0x16: {  	s3 =	sld [smem:$0x3FDB];
	s0 =	simm.s32 @p2 $0x1  }
0x17: {  	s4 =	simm.s32 $0x1BF5;
	[smem:$0x3FB7] =	sst s0  }
0x18: {  	s0 =	sld [smem:$0x3F9A];
	_ =	swait.ge [sflag:s4], $0x0  }
0x19: {  	s7 =	sld [smem:$0x3F9B]  }
0x1a: {  	s8 =	sadd.s32 $0xFFFFE003, lr  }
0x1b: {  	s9 =	sadd.s32 $0xFFFFFEF7, lr;
	s5 =	simm.s32 $0xFFFFFFFF;
	p2 =	slt.u32 s8, $0xFFFFF086  }
0x1c: {  	p1 =	slt.u32 s9, $0xF7A;
	s5 =	simm.s32 @!p2 $0x0  }
0x1d: {  	s5 =	simm.s32 @p1 $0x1;
	p0 =	seq.s32 s7, s2  }
0x1e: {  	s7 =	smul.u32 @!p0 $0xF7A, s2;
	p2 =	seq.s32 @!p0 s5, $0x0  }
0x1f: {  	s9 =	smul.u32 $0xF7A, s1;
	s8 =	simm.s32 @!p0 $0x1BF5;
	p2 =	por !p2, p0  }
0x20: {  	[sflag:s8] =	ssyncset.s32 @!p0 $0xFFFFF086;
	s6 =	sadd.s32 @!p0 s3, s7;
	s7 =	simm.s32 @!p0 $0x108  }
0x21: {  	s3 =	sadd.s32 s3, s9;
	s6 =	sadd.s32 @!p0 $0x88, s6;
	s7 =	simm.s32 @p2 $0x1082  }
0x22: {  	[simem:s7], [sflag:s8] =	dma.local @!p0 [hbm:s6], $0xF7A  }
0x23: {  	s9 =	sor.u32 $0xD0000000, s2;
	s6 =	simm.s32 $0x108;
	_ =	swait.ge @!p0 [sflag:s8], $0x0  }
0x24: {  	s3 =	sadd.s32 $0x88, s3;
	s6 =	simm.s32 @!p1 $0x1082;
	[sflag:s4] =	ssyncset.s32 $0xFFFFF086  }
0x25: {  	[simem:s6], [sflag:s4] =	dma.local [hbm:s3], $0xF7A  }
0x26: {  	[smem:$0x3F9B] =	sst s1;
	(tag) =	ssettag s2;
	_ =	strace s9  }
0x27: {  	s1 =	sld [smem:$0x3FAB]  }
0x28: {  	s2 =	sld [smem:$0x3FAC]  }
0x29: {  	s4 =	sld [smem:$0x3FAE]  }
0x2a: {  	p0 =	seq.s32 s5, $0x0;
	s5 =	sld [smem:$0x3FAF]  }
0x2b: {  	s6 =	sld [smem:$0x3FB0]  }
0x2c: {  	s7 =	sld [smem:$0x3FB1]  }
0x2d: {  	s3 =	simm.s32 $0x108;
	s8 =	sld [smem:$0x3FB2]  }
0x2e: {  	s3 =	simm.s32 @!p0 $0x1082;
	s9 =	sld [smem:$0x3FB3]  }
0x2f: {  	lr =	sadd.s32 s0, s3;
	s0 =	sld [smem:$0x3FAA]  }
0x30: {  	s3 =	sld [smem:$0x3FAD]  }
0x31: {  	[smem:$0x3FB6] =	sst s10  }
0x32: {  	s10 =	sld [smem:$0x3FB4];
	_ =	sdelay $0x3  }
0x33: {  	p0 =	seq.s32 s10, $0x1;
	s10 =	sld [smem:$0x3FB6];
	_ =	sdelay $0x3  }
0x34: {  	[smem:$0x3FB6] =	sst s10  }
0x35: {  	s10 =	sld [smem:$0x3FB5];
	_ =	sdelay $0x3  }
0x36: {  	p1 =	seq.s32 s10, $0x1;
	s10 =	sld [smem:$0x3FB6];
	_ =	sdelay $0x3  }
0x37: {  	[smem:$0x3FB6] =	sst s10  }
0x38: {  	s10 =	sld [smem:$0x3FB7]  }
0x39: {  	_ = 	snop;
	(pc) =	sbr.ind lr, $3  }
0x3a: {  	_ = 	snop  }
0x3b: {  	_ = 	snop  }
0x3c: {  	p2 =	seq.s32 s10, $0x1;
	s10 =	sld [smem:$0x3FB6]  }
0x3d: {  	_ =	shalt  }
0x3e: {  	_ =	shalt  }
0x3f: {  	_ =	shalt  }
0x40: {  	_ =	shalt  }
0x41: {  	_ =	shalt  }
0x42: {  	_ =	shalt  }
0x43: {  	_ =	shalt  }
0x44: {  	_ =	shalt  }
0x45: {  	_ =	shalt  }
0x46: {  	_ =	shalt  }
0x47: {  	_ =	shalt  }
0x48: {  	_ =	shalt  }
0x49: {  	_ =	shalt  }
0x4a: {  	_ =	shalt  }
0x4b: {  	_ =	shalt  }
0x4c: {  	_ =	shalt  }
0x4d: {  	_ =	shalt  }
0x4e: {  	_ =	shalt  }
0x4f: {  	_ =	shalt  }
0x50: {  	_ =	shalt  }
0x51: {  	_ =	shalt  }
0x52: {  	_ =	shalt  }
0x53: {  	_ =	shalt  }
0x54: {  	_ =	shalt  }
0x55: {  	_ =	shalt  }
0x56: {  	_ =	shalt  }
0x57: {  	_ =	shalt  }
0x58: {  	_ =	shalt  }
0x59: {  	_ =	shalt  }
0x5a: {  	_ =	shalt  }
0x5b: {  	_ =	shalt  }
0x5c: {  	_ =	shalt  }
0x5d: {  	_ =	shalt  }
0x5e: {  	_ =	shalt  }
0x5f: {  	_ =	shalt  }
0x60: {  	_ =	shalt  }
0x61: {  	_ =	shalt  }
0x62: {  	_ =	shalt  }
0x63: {  	_ =	shalt  }
0x64: {  	_ =	shalt  }
0x65: {  	_ =	shalt  }
0x66: {  	_ =	shalt  }
0x67: {  	_ =	shalt  }
0x68: {  	_ =	shalt  }
0x69: {  	_ =	shalt  }
0x6a: {  	_ =	shalt  }
0x6b: {  	_ =	shalt  }
0x6c: {  	_ =	shalt  }
0x6d: {  	_ =	shalt  }
0x6e: {  	_ =	shalt  }
0x6f: {  	_ =	shalt  }
0x70: {  	_ =	shalt  }
0x71: {  	_ =	shalt  }
0x72: {  	_ =	shalt  }
0x73: {  	_ =	shalt  }
0x74: {  	_ =	shalt  }
0x75: {  	_ =	shalt  }
0x76: {  	_ =	shalt  }
0x77: {  	_ =	shalt  }
0x78: {  	_ =	shalt  }
0x79: {  	_ =	shalt  }
0x7a: {  	_ =	shalt  }
0x7b: {  	_ =	shalt  }
0x7c: {  	_ =	shalt  }
0x7d: {  	_ =	shalt  }
0x7e: {  	_ =	shalt  }
0x7f: {  	_ =	shalt  }
0x80: {  	_ =	shalt  }
0x81: {  	_ =	shalt  }
0x82: {  	_ =	shalt  }
0x83: {  	_ =	shalt  }
0x84: {  	_ =	shalt  }
0x85: {  	_ =	shalt  }
0x86: {  	_ =	shalt  }
0x87: {  	_ =	shalt  }
.Lfunc_end0:
.L_simem_size_0:
called_computation_lowered:
.L_overlay_start_0:
0x88: {  	s2 =	sld [smem:$0x3FD9]  }
0x89: {  	s3 =	sld [smem:$0x3FFE];
	_ =	sdelay $0x1  }
0x8a: {  	s1 =	srdreg.scid  }
0x8b: {  	s0 =	sand.u32 $0x1, s1  }
0x8c: {  	s17 =	sshll.u32 s0, $0xA;
	s2 =	sadd.s32 s3, s2  }
0x8d: {  	s2 =	sadd.s32 s2, s17  }
0x8e: {  	[smem:$0x3FC2] =	sst s2  }
0x8f: {  	_ = 	snop  }
0x90: {  	s2 =	sld [smem:$0x3FC8]  }
0x91: {  	s18 =	sld [smem:$0x3FD0];
	(tm) =	ssettm $0x1  }
0x92: {  	s4 =	sld [smem:$0x3FFB];
	_ =	sdelay $0x3  }
0x93: {  	_ =	strace s4  }
0x94: {  	s4 =	sld [smem:$0x3FFC];
	_ =	sdelay $0x3  }
0x95: {  	_ =	strace s4  }
0x96: {  	s4 =	sld [smem:$0x3FFD];
	_ =	sdelay $0x3  }
0x97: {  	_ =	strace s4  }
0x98: {  	_ =	strace $0x8FFFFFFF  }
0x99: {  	s19 =	sld [smem:$0x3FDB];
	_ =	sdelay $0x1  }
0x9a: {  	s5 =	simm.s32 $_scs_section_size  }
0x9b: {  	s6 =	simm.s32 $_size__tile_overlayer_lowered;
	s7 =	simm.s32 $_tile_overlayer_lowered  }
0x9c: {  	s22 =	simm.s32 $0x1BFF;
	s21 =	sshll.u32 s7, $0x1;
	s4 =	sadd.s32 s5, s19  }
0x9d: {  	s8 =	simm.s32 $0x0;
	s20 =	sshll.u32 s6, $0x1;
	s6 =	sadd.s32 s21, s4  }
0x9e: {  	[timem:s8], [sflag:s22] =	dma.local [hbm:s6], s20  }
0x9f: {  	_ =	swait.ge [sflag:s22], s20  }
0xa0: {  	s5 =	ssub.s32 $0x0, s20;
	[sflag:s22] =	ssyncset.done $0x0  }
0xa1: {  	[sflag:s22] =	ssyncadd.s32 s5;
	_ =	sdelay $0x1  }
0xa2: {  	s23 =	simm.s32 $0x1B8B  }
0xa3: {  	_ =	swait.ge [sflag:s23], $0x1  }
0xa4: {  	[sflag:s23] =	ssyncset.done $0x0  }
0xa5: {  	s25 =	simm.s32 $0x1B8E;
	s24 =	sld [smem:$0x3FFE];
	[sflag:s23] =	ssyncadd.s32 $0xFFFFFFFF  }
0xa6: {  	s26 =	simm.s32 $execute0_lowered;
	[smem:$0x3FD2] =	sst s25  }
0xa7: {  	s6 =	sshll.u32 s26, $0x1;
	_ =	strace $0x80000046;
	[dreg:$0x1] =	wrdreg $0xFFFFFFFF  }
0xa8: {  	s28 =	simm.s32 $_size_execute0_lowered;
	s4 =	sadd.s32 s4, s6;
	[dreg:$0x0] =	wrdreg $0x0  }
0xa9: {  	s6 =	sshll.u32 s28, $0x1;
	[dreg:$0x2] =	wrdreg s4  }
0xaa: {  	[dreg:$0x3] =	wrdreg s6  }
0xab: {  	[dreg:$0x4] =	wrdreg $0xC0  }
0xac: {  	_ =	task [dreg:s8], $0x5FFFF  }
0xad: {  	[dreg:$0x1] =	wrdreg $0xFFFFFFFF  }
0xae: {  	[dreg:$0x0] =	wrdreg $0x60  }
0xaf: {  	[dreg:$0x2] =	wrdreg s24  }
0xb0: {  	[dreg:$0x3] =	wrdreg s2  }
0xb1: {  	[dreg:$0x4] =	wrdreg s18  }
0xb2: {  	[dreg:$0x5] =	wrdreg $0x0  }
0xb3: {  	[dreg:$0x6] =	wrdreg $0x20000  }
0xb4: {  	[dreg:$0x7] =	wrdreg $0x9  }
0xb5: {  	_ =	task.clear_ibuf [dreg:s8], $0x8FFFF;
	_ =	strace $0x90000046  }
0xb6: {  	s29 =	simm.s32 $0x9;
	_ =	strace $0x80000048  }
0xb7: {  	_ =	swait.ge [sflag:s29], $0x1  }
0xb8: {  	[sflag:s29] =	ssyncadd.s32 $0xFFFFFFFF  }
0xb9: {  	_ =	strace $0x90000048  }
0xba: {  	_ =	sfence  }
0xbb: {  	s30 =	sld [smem:$0x0];
	_ =	sdelay $0x2  }
0xbc: {  	s31 =	sshll.u32 s1, $0xD;
	s1 =	sshrl.u32 s1, $0x2  }
0xbd: {  	s3 =	sand.u32 $0x4000, s31;
	s1 =	sadd.s32 s1, s30  }
0xbe: {  	s0 =	sor.u32 s3, s0;
	s1 =	sshll.u32 s1, $0x11  }
0xbf: {  	s0 =	sor.u32 s1, s0  }
0xc0: {  	s0 =	sadd.s32 $0x8F2B, s0  }
0xc1: {  	[sflag:s0] =	ssyncadd.remote.s32 $0x1  }
0xc2: {  	_ =	sfence.sel $0xFFFF  }
0xc3: {  	[dreg:$0x0] =	wrdreg $0xFFFFFFFF;
	(pc) =	sbr.abs _section_cstart, $3  }
0xc4: {  	[dreg:$0x1] =	wrdreg $0xFFFFFFFF  }
0xc5: {  	_ =	task.clear_ibuf [dreg:s8], $0x2FFFF;
	_ =	strace $0x9FFFFFFF  }
0xc6: {  	(tm) =	ssettm $0x7FFFFFFF  }
0xc7: {  	_ =	shalt  }
tec
execute0_lowered:
.L_overlay_start_1:
0x0: {  	(tag) =	ssettag $0x1  }
0x1: {  	s6 =	rddreg [dreg:$0x0]  }
0x2: {  	s10 =	rddreg [dreg:$0x1]  }
0x3: {  	s1 =	rddreg [dreg:$0x2]  }
0x4: {  	s2 =	rddreg [dreg:$0x3]  }
0x5: {  	s3 =	rddreg [dreg:$0x4]  }
0x6: {  	s0 =	rddreg [dreg:$0x5];
	s4 =	simm.s32 $0x0  }
0x7: {  	s11 =	stileid.u32;
	s7 =	srdreg.scid;
	s16 =	simm.s32 $0x4000  }
0x8: {  	s17 =	simm.s32 $0x50;
	s18 =	simm.s32 $0x0;
	s5 =	smul.u32 $0x4E200, s11  }
0x9: {  	[smem:$0x7FF] =	sst s4;
	s7 =	sand.u32 $0x1, s7;
	s14 =	smul.u32 $0x4E20, s11  }
0xa: {  	p0 =	sne.s32 s11, $0x0;
	_ =	strace $0x80000047;
	s12 =	smul.u32 $0x27100, s7  }
0xb: {  	s8 =	sshll.u32 s7, $0xE;
	s13 =	ssub.s32 $0x2, s7;
	s15 =	smul.u32 $0x2710, s7  }
0xc: {  	s11 =	sshrl.u32 @!p0 s2, $0x3;
	s9 =	sadd.s32 s5, s6;
	s30 =	sshrl.u32 s13, $0x1  }
0xd: {  	s5 =	sadd.s32 $0x4E3400, s6;
	s8 =	sadd.s32 s8, s6;
	s13 =	ssub.s32 s13, s30  }
0xe: {  	s6 =	sadd.s32 $0x4E3A00, s8;
	s7 =	sadd.s32 $0x4EBA00, s8;
	s9 =	sadd.s32 s12, s9  }
0xf: {  	s31 =	sadd.s32 s15, s14;
	s14 =	simm.s32 $0x1;
	s15 =	simm.s32 $0x6800  }
0x10: {  	s8 =	smax.u32 s13, $0x1;
	s9 =	sadd.s32 $0x1400, s9;
	s12 =	sshrl.u32 s31, $0x3  }
0x11: {  	s13 =	simm.s32 $0x6880;
	s10 =	sadd.s32 s12, s10;
	s12 =	sshrl.u32 @!p0 s3, $0x3  }
.LBB2_1:
0x12: {  	s19 =	simm.s32 @!p0 $0x1C01;
	s20 =	simm.s32 @!p0 $0x1  }
0x13: {  	[spmem:s11], [sflag:s19] =	dma.local @!p0 [hbm:s1], $0x4000  }
0x14: {  	_ =	swait.ge @!p0 [sflag:s20], $0x4000  }
0x15: {  	[sflag:s20] =	ssyncset.done @!p0 $0x0  }
0x16: {  	[sflag:s20] =	ssyncadd.s32 @!p0 $0xFFFFC000  }
0x17: {  	[spmem:s12], [sflag:s19] =	dma.local @!p0 [hbm:s1], $0x4000  }
0x18: {  	_ =	swait.ge @!p0 [sflag:s20], $0x4000  }
0x19: {  	[sflag:s20] =	ssyncset.done @!p0 $0x0  }
0x1a: {  	[sflag:s20] =	ssyncadd.s32 @!p0 $0xFFFFC000  }
0x1b: {  	[tilespmem:s13], [sflag:$0x1] =	stream.linear.gather [hbm4b:s5+s4], $0x2800, $0x38;
	[tilespmem:$0x9080] =	vst v63  }
0x1c: {  	_ =	swait.ge [sflag:s14], $0x2800  }
0x1d: {  	[sflag:s14] =	ssyncset.done $0x0  }
0x1e: {  	[sflag:s14] =	ssyncadd.s32 $0xFFFFD800  }
0x1f: {  	s31 =	sadd.s32 $0x0, s10;
	[bflag:$0x0] =	sbarrier.arrive $0xFFFF  }
0x20: {  	[tilespmem:s15], [sflag:$0x1] =	stream.linear.gather [hbm4b:s31+s4], $0x50, $0x38;
	[tilespmem:$0x9080] =	vst v63  }
0x21: {  	_ =	swait.ge [sflag:s14], $0x50  }
0x22: {  	[sflag:s14] =	ssyncset.done $0x0  }
0x23: {  	[sflag:s14] =	ssyncadd.s32 $0xFFFFFFB0  }
0x24: {  	[tilespmem:s16], [sflag:$0x1] =	stream.linear.gather [hbm4b:s9+s4], $0x2800, $0x38;
	[tilespmem:$0x9080] =	vst v63  }
0x25: {  	_ =	swait.ge [sflag:s14], $0x2800  }
0x26: {  	[sflag:s14] =	ssyncset.done $0x0  }
0x27: {  	[sflag:s14] =	ssyncadd.s32 $0xFFFFD800  }
0x28: {  	[spmem:s2] =	stream.indirect.scatter.add.f32 [tilespmem:s16], [sflag:$0x1], $0x80, s15, s17, $0xb8;
	[tilespmem:$0x9080] =	vst v63  }
0x29: {  	_ =	swait.ge [sflag:s14], $0x2800  }
0x2a: {  	[sflag:s14] =	ssyncset.done $0x0  }
0x2b: {  	[sflag:s14] =	ssyncadd.s32 $0xFFFFD800  }
0x2c: {  	[spmem:s3] =	stream.indirect.scatter.add.f32 [tilespmem:s13], [sflag:$0x1], $0x80, s15, s17, $0xb8;
	[tilespmem:$0x9080] =	vst v63  }
0x2d: {  	s21 =	simm.s32 $0x14;
	_ =	swait.ge [sflag:s14], $0x2800  }
0x2e: {  	s19 =	sadd.s32 $0x500, s9;
	s20 =	simm.s32 $0xA;
	[sflag:s14] =	ssyncset.done $0x0  }
.LBB2_2:
0x2f: {  	s22 =	sadd.s32 s20, s10  }
0x30: {  	[sflag:s14] =	ssyncadd.s32 $0xFFFFD800;
	s20 =	smov.u32 s21;
	s23 =	sadd.s32 $0xA, s21  }
0x31: {  	[tilespmem:s15], [sflag:$0x1] =	stream.linear.gather [hbm4b:s22+s4], $0x50, $0x38;
	[tilespmem:$0x9080] =	vst v63  }
0x32: {  	p1 =	sne.s32 s21, $0x4D8;
	_ =	swait.ge [sflag:s14], $0x50  }
0x33: {  	[sflag:s14] =	ssyncset.done $0x0  }
0x34: {  	[sflag:s14] =	ssyncadd.s32 $0xFFFFFFB0  }
0x35: {  	[tilespmem:s16], [sflag:$0x1] =	stream.linear.gather [hbm4b:s19+s4], $0x2800, $0x38;
	[tilespmem:$0x9080] =	vst v63  }
0x36: {  	_ =	swait.ge [sflag:s14], $0x2800  }
0x37: {  	[sflag:s14] =	ssyncset.done $0x0  }
0x38: {  	[sflag:s14] =	ssyncadd.s32 $0xFFFFD800  }
0x39: {  	[spmem:s2] =	stream.indirect.scatter.add.f32 [tilespmem:s16], [sflag:$0x1], $0x80, s15, s17, $0xb8;
	[tilespmem:$0x9080] =	vst v63  }
0x3a: {  	_ =	swait.ge [sflag:s14], $0x2800  }
.Ltmp0:
0x3b: {  	[sflag:s14] =	ssyncset.done $0x0;
	(pc) =	sbr.rel @p1 .LBB2_2-.Ltmp0, $4  }
0x3c: {  	[sflag:s14] =	ssyncadd.s32 $0xFFFFD800  }
0x3d: {  	[spmem:s3] =	stream.indirect.scatter.add.f32 [tilespmem:s13], [sflag:$0x1], $0x80, s15, s17, $0xb8;
	[tilespmem:$0x9080] =	vst v63  }
0x3e: {  	_ =	swait.ge [sflag:s14], $0x2800  }
0x3f: {  	s21 =	smov.u32 s23;
	s19 =	sadd.s32 $0x500, s19;
	[sflag:s14] =	ssyncset.done $0x0  }
0x40: {  	s20 =	sadd.s32 s20, s10;
	[sflag:s14] =	ssyncadd.s32 $0xFFFFD800  }
0x41: {  	[tilespmem:s15], [sflag:$0x1] =	stream.linear.gather [hbm4b:s20+s4], $0x50, $0x38;
	[tilespmem:$0x9080] =	vst v63  }
0x42: {  	_ =	swait.ge [sflag:s14], $0x50  }
0x43: {  	[sflag:s14] =	ssyncset.done $0x0  }
0x44: {  	[sflag:s14] =	ssyncadd.s32 $0xFFFFFFB0  }
0x45: {  	[tilespmem:s16], [sflag:$0x1] =	stream.linear.gather [hbm4b:s19+s4], $0x2800, $0x38;
	[tilespmem:$0x9080] =	vst v63  }
0x46: {  	_ =	swait.ge [sflag:s14], $0x2800  }
0x47: {  	[sflag:s14] =	ssyncset.done $0x0  }
0x48: {  	[sflag:s14] =	ssyncadd.s32 $0xFFFFD800  }
0x49: {  	[spmem:s2] =	stream.indirect.scatter.add.f32 [tilespmem:s16], [sflag:$0x1], $0x80, s15, s17, $0xb8;
	[tilespmem:$0x9080] =	vst v63  }
0x4a: {  	_ =	swait.ge [sflag:s14], $0x2800  }
0x4b: {  	[sflag:s14] =	ssyncset.done $0x0  }
0x4c: {  	[sflag:s14] =	ssyncadd.s32 $0xFFFFD800  }
0x4d: {  	[spmem:s3] =	stream.indirect.scatter.add.f32 [tilespmem:s13], [sflag:$0x1], $0x80, s15, s17, $0xb8;
	[tilespmem:$0x9080] =	vst v63  }
0x4e: {  	_ =	swait.ge [sflag:s14], $0x2800  }
0x4f: {  	[sflag:s14] =	ssyncset.done $0x0  }
0x50: {  	[sflag:s14] =	ssyncadd.s32 $0xFFFFD800  }
0x51: {  	s20 =	simm.s32 @!p0 $0x1;
	s19 =	simm.s32 @!p0 $0x1C01;
	[bflag:$0x0] =	sbarrier.arrive $0xFFFF  }
0x52: {  	[hbm:s6], [sflag:s19] =	dma.local @!p0 [spmem:s11], $0x4000  }
0x53: {  	s18 =	sadd.s32 $0x1, s18;
	_ =	swait.ge @!p0 [sflag:s20], $0x4000  }
0x54: {  	p1 =	sne.s32 s18, s8;
	[sflag:s20] =	ssyncset.done @!p0 $0x0  }
.Ltmp1:
0x55: {  	[sflag:s20] =	ssyncadd.s32 @!p0 $0xFFFFC000;
	(pc) =	sbr.rel @p1 .LBB2_1-.Ltmp1, $4  }
0x56: {  	[hbm:s7], [sflag:s19] =	dma.local @!p0 [spmem:s12], $0x4000  }
0x57: {  	_ =	swait.ge @!p0 [sflag:s20], $0x4000  }
0x58: {  	[sflag:s20] =	ssyncset.done @!p0 $0x0  }
0x59: {  	[sflag:s20] =	ssyncadd.s32 @!p0 $0xFFFFC000  }
0x5a: {  	_ =	sfence.sel $0x180000  }
0x5b: {  	[bflag:$0x0] =	sbarrier.arrive $0xFFFF  }
0x5c: {  	_ =	strace $0x90000047  }
0x5d: {  	s0 =	sadd.s32 @!p0 $0x100000, s0;
	[bflag:$0x2] =	sbarrier.arrive $0xFFFF  }
0x5e: {  	[sflag:s0] =	ssyncadd.tile.s32 @!p0 $0x1;
	_ =	shalt  }
.Lfunc_end2:
_tile_overlayer_lowered:
.L_overlay_start_2:
0x5f: {  	(tag) =	ssettag $0x2  }
0x60: {  	s0 =	rddreg [dreg:$0x0];
	s2 =	stileid.u32  }
0x61: {  	s1 =	rddreg [dreg:$0x1];
	p0 =	sne.s32 s2, $0x0  }
0x62: {  	s3 =	rddreg [dreg:$0x2];
	[bflag:$0x3] =	sbarrier.arrive $0xFFFF;
	s2 =	simm.s32 @!p0 $0x1C01  }
0x63: {  	[timem:s3], [sflag:s2] =	dma.local @!p0 [hbm:s0], s1  }
0x64: {  	s0 =	simm.s32 @!p0 $0x1  }
0x65: {  	_ =	swait.ge @!p0 [sflag:s0], s1  }
0x66: {  	s1 =	ssub.s32 @!p0 $0x0, s1;
	[sflag:s0] =	ssyncset.done @!p0 $0x0  }
0x67: {  	[sflag:s0] =	ssyncadd.s32 @!p0 s1  }
0x68: {  	[bflag:$0x3] =	sbarrier.arrive $0xFFFF  }
0x69: {  	_ =	shalt  }

</sc_bundles>
